<compile_context>
chip_gen: v7x
topology: tpu7x:2x2x1
jax: 0.10.2.dev20260603
libtpu: 0.0.44.dev20260713+nightly
codegen_flags: <defaults>
</compile_context>

<pallas_src>
import functools

import jax
import jax.numpy as jnp
from jax import lax
from jax.experimental import pallas as pl
from jax.experimental.pallas import tpu as pltpu
from jax.experimental.pallas import tpu_sc as plsc

_B, _D, _K, _A, _H = 4096, 256, 1024, 32, 64
_BLK = 2048
_NBLK = _B // _BLK

_NC, _NS = 2, 16
_NW = _NC * _NS
_BPW = _B // _NW
_HP = 128
_IDXW = 128
_GC = 2
_GS = _BPW // _GC


def _dist_body(x_ref, cb_ref, W1_ref, b1_ref,
               idx_ref, loss_ref, cbw1_ref, cbn_scr, acc_scr):
    i = pl.program_id(0)
    cb = cb_ref[...]

    @pl.when(i == 0)
    def _():
        cbn_scr[...] = jnp.sum(cb * cb, axis=1).reshape(1, _K)
        acc_scr[...] = jnp.zeros((1, 1), jnp.float32)
        cbw1_ref[:, :_H] = (jnp.dot(cb, W1_ref[...],
                                    preferred_element_type=jnp.float32)
                            + b1_ref[...])
        cbw1_ref[:, _H:] = jnp.zeros((_K, _HP - _H), jnp.float32)

    x = x_ref[...]
    xdotc = lax.dot_general(x, cb, (((1,), (1,)), ((), ())),
                            preferred_element_type=jnp.float32)
    xn = jnp.sum(x * x, axis=1, keepdims=True)
    d = xn + cbn_scr[...] - 2.0 * xdotc
    minval = jnp.min(d, axis=1, keepdims=True)
    ids = lax.broadcasted_iota(jnp.int32, d.shape, 1)
    idx = jnp.min(jnp.where(d == minval, ids, _K), axis=1)
    idx_ref[...] = idx.reshape(_BLK // _IDXW, _IDXW)
    acc_scr[...] += jnp.sum(minval, axis=0, keepdims=True)

    @pl.when(i == _NBLK - 1)
    def _():
        loss_ref[...] = acc_scr[...] * (1.0 / (_B * _D))


_dist = pl.pallas_call(
    _dist_body,
    grid=(_NBLK,),
    in_specs=[
        pl.BlockSpec((_BLK, _D), lambda i: (i, 0)),
        pl.BlockSpec((_K, _D), lambda i: (0, 0)),
        pl.BlockSpec((_D, _H), lambda i: (0, 0)),
        pl.BlockSpec((1, _H), lambda i: (0, 0)),
    ],
    out_specs=[
        pl.BlockSpec((_BLK // _IDXW, _IDXW), lambda i: (i, 0)),
        pl.BlockSpec((1, 1), lambda i: (0, 0)),
        pl.BlockSpec((_K, _HP), lambda i: (0, 0)),
    ],
    out_shape=[
        jax.ShapeDtypeStruct((_B // _IDXW, _IDXW), jnp.int32),
        jax.ShapeDtypeStruct((1, 1), jnp.float32),
        jax.ShapeDtypeStruct((_K, _HP), jnp.float32),
    ],
    scratch_shapes=[pltpu.VMEM((1, _K), jnp.float32),
                    pltpu.VMEM((1, 1), jnp.float32)],
    compiler_params=pltpu.CompilerParams(skip_device_barrier=True),
)


@functools.cache
def _make_sc_gather():
    @functools.partial(
        pl.kernel,
        mesh=plsc.VectorSubcoreMesh(core_axis_name="c", subcore_axis_name="s",
                                    num_cores=_NC, num_subcores=_NS),
        out_type=jax.ShapeDtypeStruct((_B, _HP), jnp.float32),
        scratch_types=[
            pltpu.VMEM((_GC, _GS), jnp.int32),
            pltpu.VMEM((_BPW, _HP), jnp.float32),
            [pltpu.SemaphoreType.DMA] * _GC,
            [pltpu.SemaphoreType.DMA] * _GC,
            [pltpu.SemaphoreType.DMA] * _GC,
        ],
    )
    def _sc_gather(table_hbm, idx_hbm, out_hbm, idx_v, rows_v,
                   isems, gsems, wsems):
        wid = lax.axis_index("s") * _NC + lax.axis_index("c")
        base = wid * _BPW
        iloads = [pltpu.async_copy(
            idx_hbm.at[pl.ds(base + c * _GS, _GS)], idx_v.at[c], isems[c])
            for c in range(_GC)]
        gathers = []
        for c in range(_GC):
            iloads[c].wait()
            gathers.append(pltpu.async_copy(
                table_hbm.at[idx_v.at[c]],
                rows_v.at[pl.ds(c * _GS, _GS)], gsems[c]))
        wbs = []
        for c in range(_GC):
            gathers[c].wait()
            wbs.append(pltpu.async_copy(
                rows_v.at[pl.ds(c * _GS, _GS)],
                out_hbm.at[pl.ds(base + c * _GS, _GS)], wsems[c]))
        for c in range(_GC):
            wbs[c].wait()

    return _sc_gather


def _mlp_body(g_ref, W2_ref, b2_ref, W3_ref, b3_ref, out_ref):
    h1 = jnp.tanh(g_ref[:, :_H])
    h2 = jnp.tanh(jnp.dot(h1, W2_ref[...],
                          preferred_element_type=jnp.float32) + b2_ref[...])
    out_ref[...] = (jnp.dot(h2, W3_ref[...],
                            preferred_element_type=jnp.float32) + b3_ref[...])


_mlp = pl.pallas_call(
    _mlp_body,
    out_shape=jax.ShapeDtypeStruct((_B, _A), jnp.float32),
    compiler_params=pltpu.CompilerParams(skip_device_barrier=True),
)


@jax.jit
def kernel(x, codebook, W1, b1, W2, b2, W3, b3):
    idx2d, loss, cbw1b = _dist(x, codebook, W1, b1.reshape(1, _H))
    g = _make_sc_gather()(cbw1b, idx2d.reshape(_B))
    dist = _mlp(g, W2, b2.reshape(1, _H), W3, b3.reshape(1, _A))
    return dist, loss.reshape(())

# --- scband reference (transcript-rebuilt; emitter-appended) ---
"""Pipeline reference for scband-vqvae-31121333026986 (READ-ONLY COPY).

The authoritative reference and input builder live on the scoring server;
editing this copy changes nothing except your own understanding.
"""

import jax, jax.numpy as jnp
import numpy as np

B, D, K, A, H = 4096, 256, 1024, 32, 64


def setup_inputs(seed: int = 0) -> dict:
    key = jax.random.key(seed)
    ks = jax.random.split(key, 8)
    x = jax.random.normal(ks[0], (B, D), dtype=jnp.float32)
    codebook = jax.random.normal(ks[1], (K, D), dtype=jnp.float32)
    W1 = jax.random.normal(ks[2], (D, H), dtype=jnp.float32) * (1.0 / np.sqrt(D))
    b1 = jnp.zeros((H,), dtype=jnp.float32)
    W2 = jax.random.normal(ks[3], (H, H), dtype=jnp.float32) * (1.0 / np.sqrt(H))
    b2 = jnp.zeros((H,), dtype=jnp.float32)
    W3 = jax.random.normal(ks[4], (H, A), dtype=jnp.float32) * (1.0 / np.sqrt(H))
    b3 = jnp.zeros((A,), dtype=jnp.float32)
    return {"x": x, "codebook": codebook, "W1": W1, "b1": b1, "W2": W2, "b2": b2, "W3": W3, "b3": b3}


def reference(x, codebook, W1, b1, W2, b2, W3, b3):
    # --- VectorQuantizerEMA.forward (pre-EMA-update codebook is used for outputs) ---
    z_e = x.astype(jnp.float32)
    cb = codebook.astype(jnp.float32)
    distances = (jnp.sum(z_e ** 2, axis=1, keepdims=True)
                 + jnp.sum(cb ** 2, axis=1)
                 - 2.0 * z_e @ cb.T)
    indices = jnp.argmin(distances, axis=1)
    z_q = jnp.take(cb, indices, axis=0)  # F.embedding(indices, codebook)
    # commitment loss: F.mse_loss(z_e.detach(), z_q)
    commitment_loss = jnp.mean((jax.lax.stop_gradient(z_e) - z_q) ** 2)
    # straight-through estimator
    z_q_st = z_e + jax.lax.stop_gradient(z_q - z_e)
    # --- frozen Actor MLP (tanh hidden activations) on z_q_st ---
    h = jnp.tanh(z_q_st @ W1 + b1)
    h = jnp.tanh(h @ W2 + b2)
    dist = h @ W3 + b3
    return (dist, commitment_loss)

if __name__ == "__main__":
    import jax
    _d = setup_inputs()
    print(jax.jit(kernel)(*tuple(_d.values())))

</pallas_src>

<mosaic_0001>
#map = affine_map<(d0, d1) -> (0, 0)>
#map1 = affine_map<(d0, d1) -> (0)>
module attributes {stable_mosaic.version = 14 : i64} {
  func.func @_sc_gather(%arg0: i32, %arg1: i32, %arg2: memref<1024x128xf32, #tpu.memory_space<hbm>>, %arg3: memref<4096xi32, #tpu.memory_space<hbm>>, %arg4: memref<4096x128xf32, #tpu.memory_space<hbm>>, %arg5: memref<2x64xi32, #tpu.memory_space<vmem>>, %arg6: memref<128x128xf32, #tpu.memory_space<vmem>>, %arg7: memref<!tpu.dma_semaphore, #tpu.memory_space<semaphore_mem>>, %arg8: memref<!tpu.dma_semaphore, #tpu.memory_space<semaphore_mem>>, %arg9: memref<!tpu.dma_semaphore, #tpu.memory_space<semaphore_mem>>, %arg10: memref<!tpu.dma_semaphore, #tpu.memory_space<semaphore_mem>>, %arg11: memref<!tpu.dma_semaphore, #tpu.memory_space<semaphore_mem>>, %arg12: memref<!tpu.dma_semaphore, #tpu.memory_space<semaphore_mem>>) attributes {dimension_semantics = [#tpu.dimension_semantics<core_parallel>, #tpu.dimension_semantics<subcore_parallel>], iteration_bounds = array<i64: 2, 16>, scalar_prefetch = 0 : i64, scratch_operands = 8 : i64, tpu.core_type = #tpu.core_type<sc_vector_subcore>, window_params = [{transform_indices = #map}, {transform_indices = #map1}, {transform_indices = #map}]} {
    %mul3A = arith.constant 2 : i32
    %mul3A_0 = arith.muli %arg1, %mul3A : i32
    %add3A = arith.addi %mul3A_0, %arg0 : i32
    %mul3A_1 = arith.constant 128 : i32
    %mul3A_2 = arith.muli %add3A, %mul3A_1 : i32
    %add3A_3 = arith.constant 0 : i32
    %add3A_4 = arith.addi %mul3A_2, %add3A_3 : i32
    %dma_start3A = arith.constant 0 : i32
    %dma_start3A_5 = arith.constant 0 : i32
    %dma_start3A_6 = tpu.memref_slice %arg5[%dma_start3A, %dma_start3A_5] : memref<2x64xi32, #tpu.memory_space<vmem>> -> memref<1x64xi32, #tpu.memory_space<vmem>>
    %dma_start3A_7 = tpu.memref_squeeze %dma_start3A_6 : memref<1x64xi32, #tpu.memory_space<vmem>> -> memref<64xi32, #tpu.memory_space<vmem>>
    %dma_start3A_8 = tpu.memref_slice %arg3[%add3A_4] : memref<4096xi32, #tpu.memory_space<hbm>> -> memref<64xi32, #tpu.memory_space<hbm>>
    %dma_start3A_9 = arith.constant 0 : i32
    %dma_start3A_10 = tpu.memref_slice %arg5[%dma_start3A, %dma_start3A_9] : memref<2x64xi32, #tpu.memory_space<vmem>> -> memref<1x64xi32, #tpu.memory_space<vmem>>
    %dma_start3A_11 = tpu.memref_squeeze %dma_start3A_10 : memref<1x64xi32, #tpu.memory_space<vmem>> -> memref<64xi32, #tpu.memory_space<vmem>>
    %dma_start3A_12 = tpu.memref_slice %arg3[%add3A_4] : memref<4096xi32, #tpu.memory_space<hbm>> -> memref<64xi32, #tpu.memory_space<hbm>>
    tpu.enqueue_dma source(%dma_start3A_12 : memref<64xi32, #tpu.memory_space<hbm>>) target(%dma_start3A_11 : memref<64xi32, #tpu.memory_space<vmem>>) target_semaphore(%arg7 : memref<!tpu.dma_semaphore, #tpu.memory_space<semaphore_mem>>)
    %add3A_13 = arith.constant 64 : i32
    %add3A_14 = arith.addi %mul3A_2, %add3A_13 : i32
    %dma_start3A_15 = arith.constant 1 : i32
    %dma_start3A_16 = arith.constant 0 : i32
    %dma_start3A_17 = tpu.memref_slice %arg5[%dma_start3A_15, %dma_start3A_16] : memref<2x64xi32, #tpu.memory_space<vmem>> -> memref<1x64xi32, #tpu.memory_space<vmem>>
    %dma_start3A_18 = tpu.memref_squeeze %dma_start3A_17 : memref<1x64xi32, #tpu.memory_space<vmem>> -> memref<64xi32, #tpu.memory_space<vmem>>
    %dma_start3A_19 = tpu.memref_slice %arg3[%add3A_14] : memref<4096xi32, #tpu.memory_space<hbm>> -> memref<64xi32, #tpu.memory_space<hbm>>
    %dma_start3A_20 = arith.constant 0 : i32
    %dma_start3A_21 = tpu.memref_slice %arg5[%dma_start3A_15, %dma_start3A_20] : memref<2x64xi32, #tpu.memory_space<vmem>> -> memref<1x64xi32, #tpu.memory_space<vmem>>
    %dma_start3A_22 = tpu.memref_squeeze %dma_start3A_21 : memref<1x64xi32, #tpu.memory_space<vmem>> -> memref<64xi32, #tpu.memory_space<vmem>>
    %dma_start3A_23 = tpu.memref_slice %arg3[%add3A_14] : memref<4096xi32, #tpu.memory_space<hbm>> -> memref<64xi32, #tpu.memory_space<hbm>>
    tpu.enqueue_dma source(%dma_start3A_23 : memref<64xi32, #tpu.memory_space<hbm>>) target(%dma_start3A_22 : memref<64xi32, #tpu.memory_space<vmem>>) target_semaphore(%arg8 : memref<!tpu.dma_semaphore, #tpu.memory_space<semaphore_mem>>)
    %dma_wait3A = arith.constant 0 : i32
    %dma_wait3A_24 = arith.constant 0 : i32
    %dma_wait3A_25 = tpu.memref_slice %arg5[%dma_wait3A, %dma_wait3A_24] : memref<2x64xi32, #tpu.memory_space<vmem>> -> memref<1x64xi32, #tpu.memory_space<vmem>>
    %dma_wait3A_26 = tpu.memref_squeeze %dma_wait3A_25 : memref<1x64xi32, #tpu.memory_space<vmem>> -> memref<64xi32, #tpu.memory_space<vmem>>
    %dma_wait3A_27 = tpu.memref_slice %arg3[%add3A_4] : memref<4096xi32, #tpu.memory_space<hbm>> -> memref<64xi32, #tpu.memory_space<hbm>>
    %dma_wait3A_28 = arith.constant 0 : i32
    %dma_wait3A_29 = tpu.memref_slice %arg5[%dma_wait3A, %dma_wait3A_28] : memref<2x64xi32, #tpu.memory_space<vmem>> -> memref<1x64xi32, #tpu.memory_space<vmem>>
    %dma_wait3A_30 = tpu.memref_squeeze %dma_wait3A_29 : memref<1x64xi32, #tpu.memory_space<vmem>> -> memref<64xi32, #tpu.memory_space<vmem>>
    %dma_wait3A_31 = tpu.memref_slice %arg3[%add3A_4] : memref<4096xi32, #tpu.memory_space<hbm>> -> memref<64xi32, #tpu.memory_space<hbm>>
    tpu.wait_dma2 semaphore(%arg7 : memref<!tpu.dma_semaphore, #tpu.memory_space<semaphore_mem>>) src(%dma_wait3A_31 : memref<64xi32, #tpu.memory_space<hbm>>) dst(%dma_wait3A_30 : memref<64xi32, #tpu.memory_space<vmem>>)
    %dma_start3A_32 = arith.constant 0 : i32
    %dma_start3A_33 = arith.constant 0 : i32
    %dma_start3A_34 = arith.constant 0 : i32
    %dma_start3A_35 = tpu.memref_slice %arg6[%dma_start3A_33, %dma_start3A_34] : memref<128x128xf32, #tpu.memory_space<vmem>> -> memref<64x128xf32, #tpu.memory_space<vmem>>
    %dma_start3A_36 = arith.constant 0 : i32
    %dma_start3A_37 = tpu.memref_slice %arg5[%dma_start3A_32, %dma_start3A_36] : memref<2x64xi32, #tpu.memory_space<vmem>> -> memref<1x64xi32, #tpu.memory_space<vmem>>
    %dma_start3A_38 = tpu.memref_squeeze %dma_start3A_37 : memref<1x64xi32, #tpu.memory_space<vmem>> -> memref<64xi32, #tpu.memory_space<vmem>>
    %dma_start3A_39 = arith.constant 0 : i32
    %dma_start3A_40 = arith.constant 0 : i32
    %dma_start3A_41 = tpu.memref_slice %arg2[%dma_start3A_39, %dma_start3A_40] : memref<1024x128xf32, #tpu.memory_space<hbm>> -> memref<1024x128xf32, #tpu.memory_space<hbm>>
    tpu.enqueue_indirect_dma source(%dma_start3A_41 : memref<1024x128xf32, #tpu.memory_space<hbm>>) target(%dma_start3A_35 : memref<64x128xf32, #tpu.memory_space<vmem>>) offsets(%dma_start3A_38 : memref<64xi32, #tpu.memory_space<vmem>>) semaphore(%arg9 : memref<!tpu.dma_semaphore, #tpu.memory_space<semaphore_mem>>)
    %dma_wait3A_42 = arith.constant 1 : i32
    %dma_wait3A_43 = arith.constant 0 : i32
    %dma_wait3A_44 = tpu.memref_slice %arg5[%dma_wait3A_42, %dma_wait3A_43] : memref<2x64xi32, #tpu.memory_space<vmem>> -> memref<1x64xi32, #tpu.memory_space<vmem>>
    %dma_wait3A_45 = tpu.memref_squeeze %dma_wait3A_44 : memref<1x64xi32, #tpu.memory_space<vmem>> -> memref<64xi32, #tpu.memory_space<vmem>>
    %dma_wait3A_46 = tpu.memref_slice %arg3[%add3A_14] : memref<4096xi32, #tpu.memory_space<hbm>> -> memref<64xi32, #tpu.memory_space<hbm>>
    %dma_wait3A_47 = arith.constant 0 : i32
    %dma_wait3A_48 = tpu.memref_slice %arg5[%dma_wait3A_42, %dma_wait3A_47] : memref<2x64xi32, #tpu.memory_space<vmem>> -> memref<1x64xi32, #tpu.memory_space<vmem>>
    %dma_wait3A_49 = tpu.memref_squeeze %dma_wait3A_48 : memref<1x64xi32, #tpu.memory_space<vmem>> -> memref<64xi32, #tpu.memory_space<vmem>>
    %dma_wait3A_50 = tpu.memref_slice %arg3[%add3A_14] : memref<4096xi32, #tpu.memory_space<hbm>> -> memref<64xi32, #tpu.memory_space<hbm>>
    tpu.wait_dma2 semaphore(%arg8 : memref<!tpu.dma_semaphore, #tpu.memory_space<semaphore_mem>>) src(%dma_wait3A_50 : memref<64xi32, #tpu.memory_space<hbm>>) dst(%dma_wait3A_49 : memref<64xi32, #tpu.memory_space<vmem>>)
    %dma_start3A_51 = arith.constant 1 : i32
    %dma_start3A_52 = arith.constant 64 : i32
    %dma_start3A_53 = arith.constant 0 : i32
    %dma_start3A_54 = tpu.memref_slice %arg6[%dma_start3A_52, %dma_start3A_53] : memref<128x128xf32, #tpu.memory_space<vmem>> -> memref<64x128xf32, #tpu.memory_space<vmem>>
    %dma_start3A_55 = arith.constant 0 : i32
    %dma_start3A_56 = tpu.memref_slice %arg5[%dma_start3A_51, %dma_start3A_55] : memref<2x64xi32, #tpu.memory_space<vmem>> -> memref<1x64xi32, #tpu.memory_space<vmem>>
    %dma_start3A_57 = tpu.memref_squeeze %dma_start3A_56 : memref<1x64xi32, #tpu.memory_space<vmem>> -> memref<64xi32, #tpu.memory_space<vmem>>
    %dma_start3A_58 = arith.constant 0 : i32
    %dma_start3A_59 = arith.constant 0 : i32
    %dma_start3A_60 = tpu.memref_slice %arg2[%dma_start3A_58, %dma_start3A_59] : memref<1024x128xf32, #tpu.memory_space<hbm>> -> memref<1024x128xf32, #tpu.memory_space<hbm>>
    tpu.enqueue_indirect_dma source(%dma_start3A_60 : memref<1024x128xf32, #tpu.memory_space<hbm>>) target(%dma_start3A_54 : memref<64x128xf32, #tpu.memory_space<vmem>>) offsets(%dma_start3A_57 : memref<64xi32, #tpu.memory_space<vmem>>) semaphore(%arg10 : memref<!tpu.dma_semaphore, #tpu.memory_space<semaphore_mem>>)
    %dma_wait3A_61 = arith.constant 0 : i32
    %dma_wait3A_62 = arith.constant 0 : i32
    %dma_wait3A_63 = arith.constant 0 : i32
    %dma_wait3A_64 = tpu.memref_slice %arg6[%dma_wait3A_62, %dma_wait3A_63] : memref<128x128xf32, #tpu.memory_space<vmem>> -> memref<64x128xf32, #tpu.memory_space<vmem>>
    %dma_wait3A_65 = arith.constant 0 : i32
    %dma_wait3A_66 = tpu.memref_slice %arg5[%dma_wait3A_61, %dma_wait3A_65] : memref<2x64xi32, #tpu.memory_space<vmem>> -> memref<1x64xi32, #tpu.memory_space<vmem>>
    %dma_wait3A_67 = tpu.memref_squeeze %dma_wait3A_66 : memref<1x64xi32, #tpu.memory_space<vmem>> -> memref<64xi32, #tpu.memory_space<vmem>>
    %dma_wait3A_68 = arith.constant 0 : i32
    %dma_wait3A_69 = arith.constant 0 : i32
    %dma_wait3A_70 = tpu.memref_slice %arg2[%dma_wait3A_68, %dma_wait3A_69] : memref<1024x128xf32, #tpu.memory_space<hbm>> -> memref<1024x128xf32, #tpu.memory_space<hbm>>
    tpu.wait_indirect_dma semaphore(%arg9 : memref<!tpu.dma_semaphore, #tpu.memory_space<semaphore_mem>>) src(%dma_wait3A_70 : memref<1024x128xf32, #tpu.memory_space<hbm>>) dst(%dma_wait3A_64 : memref<64x128xf32, #tpu.memory_space<vmem>>)
    %add3A_71 = arith.constant 0 : i32
    %add3A_72 = arith.addi %mul3A_2, %add3A_71 : i32
    %dma_start3A_73 = arith.constant 0 : i32
    %dma_start3A_74 = arith.constant 0 : i32
    %dma_start3A_75 = tpu.memref_slice %arg6[%dma_start3A_73, %dma_start3A_74] : memref<128x128xf32, #tpu.memory_space<vmem>> -> memref<64x128xf32, #tpu.memory_space<vmem>>
    %dma_start3A_76 = arith.constant 0 : i32
    %dma_start3A_77 = tpu.memref_slice %arg4[%add3A_72, %dma_start3A_76] : memref<4096x128xf32, #tpu.memory_space<hbm>> -> memref<64x128xf32, #tpu.memory_space<hbm>>
    %dma_start3A_78 = arith.constant 0 : i32
    %dma_start3A_79 = tpu.memref_slice %arg4[%add3A_72, %dma_start3A_78] : memref<4096x128xf32, #tpu.memory_space<hbm>> -> memref<64x128xf32, #tpu.memory_space<hbm>>
    %dma_start3A_80 = arith.constant 0 : i32
    %dma_start3A_81 = arith.constant 0 : i32
    %dma_start3A_82 = tpu.memref_slice %arg6[%dma_start3A_80, %dma_start3A_81] : memref<128x128xf32, #tpu.memory_space<vmem>> -> memref<64x128xf32, #tpu.memory_space<vmem>>
    tpu.enqueue_dma source(%dma_start3A_82 : memref<64x128xf32, #tpu.memory_space<vmem>>) target(%dma_start3A_79 : memref<64x128xf32, #tpu.memory_space<hbm>>) target_semaphore(%arg11 : memref<!tpu.dma_semaphore, #tpu.memory_space<semaphore_mem>>)
    %dma_wait3A_83 = arith.constant 1 : i32
    %dma_wait3A_84 = arith.constant 64 : i32
    %dma_wait3A_85 = arith.constant 0 : i32
    %dma_wait3A_86 = tpu.memref_slice %arg6[%dma_wait3A_84, %dma_wait3A_85] : memref<128x128xf32, #tpu.memory_space<vmem>> -> memref<64x128xf32, #tpu.memory_space<vmem>>
    %dma_wait3A_87 = arith.constant 0 : i32
    %dma_wait3A_88 = tpu.memref_slice %arg5[%dma_wait3A_83, %dma_wait3A_87] : memref<2x64xi32, #tpu.memory_space<vmem>> -> memref<1x64xi32, #tpu.memory_space<vmem>>
    %dma_wait3A_89 = tpu.memref_squeeze %dma_wait3A_88 : memref<1x64xi32, #tpu.memory_space<vmem>> -> memref<64xi32, #tpu.memory_space<vmem>>
    %dma_wait3A_90 = arith.constant 0 : i32
    %dma_wait3A_91 = arith.constant 0 : i32
    %dma_wait3A_92 = tpu.memref_slice %arg2[%dma_wait3A_90, %dma_wait3A_91] : memref<1024x128xf32, #tpu.memory_space<hbm>> -> memref<1024x128xf32, #tpu.memory_space<hbm>>
    tpu.wait_indirect_dma semaphore(%arg10 : memref<!tpu.dma_semaphore, #tpu.memory_space<semaphore_mem>>) src(%dma_wait3A_92 : memref<1024x128xf32, #tpu.memory_space<hbm>>) dst(%dma_wait3A_86 : memref<64x128xf32, #tpu.memory_space<vmem>>)
    %add3A_93 = arith.constant 64 : i32
    %add3A_94 = arith.addi %mul3A_2, %add3A_93 : i32
    %dma_start3A_95 = arith.constant 64 : i32
    %dma_start3A_96 = arith.constant 0 : i32
    %dma_start3A_97 = tpu.memref_slice %arg6[%dma_start3A_95, %dma_start3A_96] : memref<128x128xf32, #tpu.memory_space<vmem>> -> memref<64x128xf32, #tpu.memory_space<vmem>>
    %dma_start3A_98 = arith.constant 0 : i32
    %dma_start3A_99 = tpu.memref_slice %arg4[%add3A_94, %dma_start3A_98] : memref<4096x128xf32, #tpu.memory_space<hbm>> -> memref<64x128xf32, #tpu.memory_space<hbm>>
    %dma_start3A_100 = arith.constant 0 : i32
    %dma_start3A_101 = tpu.memref_slice %arg4[%add3A_94, %dma_start3A_100] : memref<4096x128xf32, #tpu.memory_space<hbm>> -> memref<64x128xf32, #tpu.memory_space<hbm>>
    %dma_start3A_102 = arith.constant 64 : i32
    %dma_start3A_103 = arith.constant 0 : i32
    %dma_start3A_104 = tpu.memref_slice %arg6[%dma_start3A_102, %dma_start3A_103] : memref<128x128xf32, #tpu.memory_space<vmem>> -> memref<64x128xf32, #tpu.memory_space<vmem>>
    tpu.enqueue_dma source(%dma_start3A_104 : memref<64x128xf32, #tpu.memory_space<vmem>>) target(%dma_start3A_101 : memref<64x128xf32, #tpu.memory_space<hbm>>) target_semaphore(%arg12 : memref<!tpu.dma_semaphore, #tpu.memory_space<semaphore_mem>>)
    %dma_wait3A_105 = arith.constant 0 : i32
    %dma_wait3A_106 = arith.constant 0 : i32
    %dma_wait3A_107 = tpu.memref_slice %arg6[%dma_wait3A_105, %dma_wait3A_106] : memref<128x128xf32, #tpu.memory_space<vmem>> -> memref<64x128xf32, #tpu.memory_space<vmem>>
    %dma_wait3A_108 = arith.constant 0 : i32
    %dma_wait3A_109 = tpu.memref_slice %arg4[%add3A_72, %dma_wait3A_108] : memref<4096x128xf32, #tpu.memory_space<hbm>> -> memref<64x128xf32, #tpu.memory_space<hbm>>
    %dma_wait3A_110 = arith.constant 0 : i32
    %dma_wait3A_111 = tpu.memref_slice %arg4[%add3A_72, %dma_wait3A_110] : memref<4096x128xf32, #tpu.memory_space<hbm>> -> memref<64x128xf32, #tpu.memory_space<hbm>>
    %dma_wait3A_112 = arith.constant 0 : i32
    %dma_wait3A_113 = arith.constant 0 : i32
    %dma_wait3A_114 = tpu.memref_slice %arg6[%dma_wait3A_112, %dma_wait3A_113] : memref<128x128xf32, #tpu.memory_space<vmem>> -> memref<64x128xf32, #tpu.memory_space<vmem>>
    tpu.wait_dma2 semaphore(%arg11 : memref<!tpu.dma_semaphore, #tpu.memory_space<semaphore_mem>>) src(%dma_wait3A_114 : memref<64x128xf32, #tpu.memory_space<vmem>>) dst(%dma_wait3A_111 : memref<64x128xf32, #tpu.memory_space<hbm>>)
    %dma_wait3A_115 = arith.constant 64 : i32
    %dma_wait3A_116 = arith.constant 0 : i32
    %dma_wait3A_117 = tpu.memref_slice %arg6[%dma_wait3A_115, %dma_wait3A_116] : memref<128x128xf32, #tpu.memory_space<vmem>> -> memref<64x128xf32, #tpu.memory_space<vmem>>
    %dma_wait3A_118 = arith.constant 0 : i32
    %dma_wait3A_119 = tpu.memref_slice %arg4[%add3A_94, %dma_wait3A_118] : memref<4096x128xf32, #tpu.memory_space<hbm>> -> memref<64x128xf32, #tpu.memory_space<hbm>>
    %dma_wait3A_120 = arith.constant 0 : i32
    %dma_wait3A_121 = tpu.memref_slice %arg4[%add3A_94, %dma_wait3A_120] : memref<4096x128xf32, #tpu.memory_space<hbm>> -> memref<64x128xf32, #tpu.memory_space<hbm>>
    %dma_wait3A_122 = arith.constant 64 : i32
    %dma_wait3A_123 = arith.constant 0 : i32
    %dma_wait3A_124 = tpu.memref_slice %arg6[%dma_wait3A_122, %dma_wait3A_123] : memref<128x128xf32, #tpu.memory_space<vmem>> -> memref<64x128xf32, #tpu.memory_space<vmem>>
    tpu.wait_dma2 semaphore(%arg12 : memref<!tpu.dma_semaphore, #tpu.memory_space<semaphore_mem>>) src(%dma_wait3A_124 : memref<64x128xf32, #tpu.memory_space<vmem>>) dst(%dma_wait3A_121 : memref<64x128xf32, #tpu.memory_space<hbm>>)
    return
  }
}

module attributes {stable_mosaic.version = 14 : i64} {
  func.func @_mlp_body(%arg0: memref<4096x128xf32, #tpu.memory_space<vmem>>, %arg1: memref<64x64xf32, #tpu.memory_space<vmem>>, %arg2: memref<1x64xf32, #tpu.memory_space<vmem>>, %arg3: memref<64x32xf32, #tpu.memory_space<vmem>>, %arg4: memref<1x32xf32, #tpu.memory_space<vmem>>, %arg5: memref<4096x32xf32, #tpu.memory_space<vmem>>) attributes {dimension_semantics = [], scalar_prefetch = 0 : i64, scratch_operands = 0 : i64, tpu.core_type = #tpu.core_type<tc>} {
    %get3A = arith.constant 0 : index
    %get3A_0 = arith.constant 0 : index
    %get3A_1 = vector.load %arg0[%get3A, %get3A_0] : memref<4096x128xf32, #tpu.memory_space<vmem>>, vector<4096x64xf32>
    %tanh3A = math.tanh %get3A_1 : vector<4096x64xf32>
    %get3A_2 = arith.constant 0 : index
    %get3A_3 = arith.constant 0 : index
    %get3A_4 = vector.load %arg1[%get3A_2, %get3A_3] : memref<64x64xf32, #tpu.memory_space<vmem>>, vector<64x64xf32>
    %dot_general3A = arith.constant dense<0.000000e+00> : vector<4096x64xf32>
    %dot_general3A_5 = tpu.matmul %tanh3A, %get3A_4, %dot_general3A {dimension_numbers = #tpu.dot_dimension_numbers<[1], [0], [0], [1], [0, 0, 1, 1], [], []>, transpose_lhs_hint = false} : vector<4096x64xf32>, vector<64x64xf32>, vector<4096x64xf32> -> vector<4096x64xf32>
    %get3A_6 = arith.constant 0 : index
    %get3A_7 = arith.constant 0 : index
    %get3A_8 = vector.load %arg2[%get3A_6, %get3A_7] : memref<1x64xf32, #tpu.memory_space<vmem>>, vector<1x64xf32>
    %add3A = vector.broadcast %get3A_8 : vector<1x64xf32> to vector<4096x64xf32>
    %add3A_9 = arith.addf %dot_general3A_5, %add3A : vector<4096x64xf32>
    %tanh3A_10 = math.tanh %add3A_9 : vector<4096x64xf32>
    %get3A_11 = arith.constant 0 : index
    %get3A_12 = arith.constant 0 : index
    %get3A_13 = vector.load %arg3[%get3A_11, %get3A_12] : memref<64x32xf32, #tpu.memory_space<vmem>>, vector<64x32xf32>
    %dot_general3A_14 = arith.constant dense<0.000000e+00> : vector<4096x32xf32>
    %dot_general3A_15 = tpu.matmul %tanh3A_10, %get3A_13, %dot_general3A_14 {dimension_numbers = #tpu.dot_dimension_numbers<[1], [0], [0], [1], [0, 0, 1, 1], [], []>, transpose_lhs_hint = false} : vector<4096x64xf32>, vector<64x32xf32>, vector<4096x32xf32> -> vector<4096x32xf32>
    %get3A_16 = arith.constant 0 : index
    %get3A_17 = arith.constant 0 : index
    %get3A_18 = vector.load %arg4[%get3A_16, %get3A_17] : memref<1x32xf32, #tpu.memory_space<vmem>>, vector<1x32xf32>
    %add3A_19 = vector.broadcast %get3A_18 : vector<1x32xf32> to vector<4096x32xf32>
    %add3A_20 = arith.addf %dot_general3A_15, %add3A_19 : vector<4096x32xf32>
    %swap3A = arith.constant 0 : index
    %swap3A_21 = arith.constant 0 : index
    %swap3A_22 = vector.load %arg5[%swap3A, %swap3A_21] : memref<4096x32xf32, #tpu.memory_space<vmem>>, vector<4096x32xf32>
    tpu.vector_store %arg5[%swap3A, %swap3A_21], %add3A_20 {strides = array<i32>} : memref<4096x32xf32, #tpu.memory_space<vmem>>, vector<4096x32xf32>,
    return
  }
}

module attributes {stable_mosaic.version = 14 : i64} {
  func.func @_dist_body(%arg0: i32, %arg1: memref<2048x256xf32, #tpu.memory_space<vmem>>, %arg2: memref<1024x256xf32, #tpu.memory_space<vmem>>, %arg3: memref<256x64xf32, #tpu.memory_space<vmem>>, %arg4: memref<1x64xf32, #tpu.memory_space<vmem>>, %arg5: memref<16x128xi32, #tpu.memory_space<vmem>>, %arg6: memref<1x1xf32, #tpu.memory_space<vmem>>, %arg7: memref<1024x128xf32, #tpu.memory_space<vmem>>, %arg8: memref<1x1024xf32, #tpu.memory_space<vmem>>, %arg9: memref<1x1xf32, #tpu.memory_space<vmem>>) attributes {dimension_semantics = [#tpu.dimension_semantics<arbitrary>], iteration_bounds = array<i64: 2>, scalar_prefetch = 0 : i64, scratch_operands = 2 : i64, tpu.core_type = #tpu.core_type<tc>, window_params = [{transform_indices = @transform_0, window_bounds = array<i64: 2048, 256>}, {pipeline_mode = #tpu.pipeline_mode<synchronous>, transform_indices = @transform_1, window_bounds = array<i64: 1024, 256>}, {pipeline_mode = #tpu.pipeline_mode<synchronous>, transform_indices = @transform_2, window_bounds = array<i64: 256, 64>}, {pipeline_mode = #tpu.pipeline_mode<synchronous>, transform_indices = @transform_3, window_bounds = array<i64: 1, 64>}, {transform_indices = @transform_4, window_bounds = array<i64: 16, 128>}, {pipeline_mode = #tpu.pipeline_mode<synchronous>, transform_indices = @transform_5, window_bounds = array<i64: 1, 1>}, {pipeline_mode = #tpu.pipeline_mode<synchronous>, transform_indices = @transform_6, window_bounds = array<i64: 1024, 128>}]} {
    %get3A = arith.constant 0 : index
    %get3A_0 = arith.constant 0 : index
    %get3A_1 = vector.load %arg2[%get3A, %get3A_0] : memref<1024x256xf32, #tpu.memory_space<vmem>>, vector<1024x256xf32>
    %eq3A = arith.constant 0 : i32
    %eq3A_2 = arith.cmpi eq, %arg0, %eq3A : i32
    %convert_element_type3A = arith.extui %eq3A_2 : i1 to i32
    %cond3A = arith.constant 0 : i32
    %cond3A_3 = arith.cmpi ne, %convert_element_type3A, %cond3A : i32
    scf.if %cond3A_3 {
      %mul3A_41 = arith.mulf %get3A_1, %get3A_1 : vector<1024x256xf32>
      %reduce_sum3A_42 = arith.constant dense<0.000000e+00> : vector<1024xf32>
      %reduce_sum3A_43 = vector.multi_reduction <add>, %mul3A_41, %reduce_sum3A_42 [1] : vector<1024x256xf32> to vector<1024xf32>
      %reshape3A_44 = vector.shape_cast %reduce_sum3A_43 : vector<1024xf32> to vector<1x1024xf32>
      %swap3A_45 = arith.constant 0 : index
      %swap3A_46 = arith.constant 0 : index
      %swap3A_47 = vector.load %arg8[%swap3A_45, %swap3A_46] : memref<1x1024xf32, #tpu.memory_space<vmem>>, vector<1x1024xf32>
      tpu.vector_store %arg8[%swap3A_45, %swap3A_46], %reshape3A_44 {strides = array<i32>} : memref<1x1024xf32, #tpu.memory_space<vmem>>, vector<1x1024xf32>,
      %broadcast_in_dim3A_48 = arith.constant 0.000000e+00 : f32
      %broadcast_in_dim3A_49 = vector.broadcast %broadcast_in_dim3A_48 : f32 to vector<1x1xf32>
      %swap3A_50 = arith.constant 0 : index
      %swap3A_51 = arith.constant 0 : index
      %swap3A_52 = vector.load %arg9[%swap3A_50, %swap3A_51] : memref<1x1xf32, #tpu.memory_space<vmem>>, vector<1x1xf32>
      tpu.vector_store %arg9[%swap3A_50, %swap3A_51], %broadcast_in_dim3A_49 {strides = array<i32>} : memref<1x1xf32, #tpu.memory_space<vmem>>, vector<1x1xf32>,
      %get3A_53 = arith.constant 0 : index
      %get3A_54 = arith.constant 0 : index
      %get3A_55 = vector.load %arg3[%get3A_53, %get3A_54] : memref<256x64xf32, #tpu.memory_space<vmem>>, vector<256x64xf32>
      %dot_general3A_56 = arith.constant dense<0.000000e+00> : vector<1024x64xf32>
      %dot_general3A_57 = tpu.matmul %get3A_1, %get3A_55, %dot_general3A_56 {dimension_numbers = #tpu.dot_dimension_numbers<[1], [0], [0], [1], [0, 0, 1, 1], [], []>, transpose_lhs_hint = false} : vector<1024x256xf32>, vector<256x64xf32>, vector<1024x64xf32> -> vector<1024x64xf32>
      %get3A_58 = arith.constant 0 : index
      %get3A_59 = arith.constant 0 : index
      %get3A_60 = vector.load %arg4[%get3A_58, %get3A_59] : memref<1x64xf32, #tpu.memory_space<vmem>>, vector<1x64xf32>
      %add3A_61 = vector.broadcast %get3A_60 : vector<1x64xf32> to vector<1024x64xf32>
      %add3A_62 = arith.addf %dot_general3A_57, %add3A_61 : vector<1024x64xf32>
      %swap3A_63 = arith.constant 0 : index
      %swap3A_64 = arith.constant 0 : index
      %swap3A_65 = vector.load %arg7[%swap3A_63, %swap3A_64] : memref<1024x128xf32, #tpu.memory_space<vmem>>, vector<1024x64xf32>
      tpu.vector_store %arg7[%swap3A_63, %swap3A_64], %add3A_62 {strides = array<i32>} : memref<1024x128xf32, #tpu.memory_space<vmem>>, vector<1024x64xf32>,
      %broadcast_in_dim3A_66 = arith.constant 0.000000e+00 : f32
      %broadcast_in_dim3A_67 = vector.broadcast %broadcast_in_dim3A_66 : f32 to vector<1024x64xf32>
      %swap3A_68 = arith.constant 0 : index
      %swap3A_69 = arith.constant 64 : index
      %swap3A_70 = vector.load %arg7[%swap3A_68, %swap3A_69] : memref<1024x128xf32, #tpu.memory_space<vmem>>, vector<1024x64xf32>
      tpu.vector_store %arg7[%swap3A_68, %swap3A_69], %broadcast_in_dim3A_67 {strides = array<i32>} : memref<1024x128xf32, #tpu.memory_space<vmem>>, vector<1024x64xf32>,
    } else {
    }
    %get3A_4 = arith.constant 0 : index
    %get3A_5 = arith.constant 0 : index
    %get3A_6 = vector.load %arg1[%get3A_4, %get3A_5] : memref<2048x256xf32, #tpu.memory_space<vmem>>, vector<2048x256xf32>
    %dot_general3A = arith.constant dense<0.000000e+00> : vector<2048x1024xf32>
    %dot_general3A_7 = tpu.matmul %get3A_6, %get3A_1, %dot_general3A {dimension_numbers = #tpu.dot_dimension_numbers<[1], [1], [0], [0], [0, 0, 1, 0], [], []>, transpose_lhs_hint = false} : vector<2048x256xf32>, vector<1024x256xf32>, vector<2048x1024xf32> -> vector<2048x1024xf32>
    %mul3A = arith.mulf %get3A_6, %get3A_6 : vector<2048x256xf32>
    %reduce_sum3A = arith.constant dense<0.000000e+00> : vector<2048xf32>
    %reduce_sum3A_8 = vector.multi_reduction <add>, %mul3A, %reduce_sum3A [1] : vector<2048x256xf32> to vector<2048xf32>
    %broadcast_in_dim3A = vector.shape_cast %reduce_sum3A_8 : vector<2048xf32> to vector<2048x1xf32>
    %get3A_9 = arith.constant 0 : index
    %get3A_10 = arith.constant 0 : index
    %get3A_11 = vector.load %arg8[%get3A_9, %get3A_10] : memref<1x1024xf32, #tpu.memory_space<vmem>>, vector<1x1024xf32>
    %add3A = vector.broadcast %broadcast_in_dim3A : vector<2048x1xf32> to vector<2048x1024xf32>
    %add3A_12 = vector.broadcast %get3A_11 : vector<1x1024xf32> to vector<2048x1024xf32>
    %add3A_13 = arith.addf %add3A, %add3A_12 : vector<2048x1024xf32>
    %mul3A_14 = arith.constant 2.000000e+00 : f32
    %mul3A_15 = vector.broadcast %mul3A_14 : f32 to vector<2048x1024xf32>
    %mul3A_16 = arith.mulf %mul3A_15, %dot_general3A_7 : vector<2048x1024xf32>
    %sub3A = arith.subf %add3A_13, %mul3A_16 : vector<2048x1024xf32>
    %reduce_min3A = arith.constant dense<0x7F800000> : vector<2048xf32>
    %reduce_min3A_17 = vector.multi_reduction <minimumf>, %sub3A, %reduce_min3A [1] : vector<2048x1024xf32> to vector<2048xf32>
    %broadcast_in_dim3A_18 = vector.shape_cast %reduce_min3A_17 : vector<2048xf32> to vector<2048x1xf32>
    %iota3A = tpu.iota {dimensions = array<i32: 1>} : vector<2048x1024xi32>
    %eq3A_19 = vector.broadcast %broadcast_in_dim3A_18 : vector<2048x1xf32> to vector<2048x1024xf32>
    %eq3A_20 = arith.cmpf oeq, %sub3A, %eq3A_19 : vector<2048x1024xf32>
    %jit3A = arith.constant 1024 : i32
    %broadcast_in_dim3A_21 = vector.broadcast %jit3A : i32 to vector<2048x1024xi32>
    %select_n3A = arith.select %eq3A_20, %iota3A, %broadcast_in_dim3A_21 : vector<2048x1024xi1>, vector<2048x1024xi32>
    %reduce_min3A_22 = arith.constant dense<2147483647> : vector<2048xi32>
    %reduce_min3A_23 = vector.multi_reduction <minsi>, %select_n3A, %reduce_min3A_22 [1] : vector<2048x1024xi32> to vector<2048xi32>
    %reshape3A = vector.shape_cast %reduce_min3A_23 : vector<2048xi32> to vector<16x128xi32>
    %swap3A = arith.constant 0 : index
    %swap3A_24 = arith.constant 0 : index
    %swap3A_25 = vector.load %arg5[%swap3A, %swap3A_24] : memref<16x128xi32, #tpu.memory_space<vmem>>, vector<16x128xi32>
    tpu.vector_store %arg5[%swap3A, %swap3A_24], %reshape3A {strides = array<i32>} : memref<16x128xi32, #tpu.memory_space<vmem>>, vector<16x128xi32>,
    %get3A_26 = arith.constant 0 : index
    %get3A_27 = arith.constant 0 : index
    %get3A_28 = vector.load %arg9[%get3A_26, %get3A_27] : memref<1x1xf32, #tpu.memory_space<vmem>>, vector<1x1xf32>
    %reduce_sum3A_29 = arith.constant dense<0.000000e+00> : vector<1xf32>
    %reduce_sum3A_30 = vector.multi_reduction <add>, %broadcast_in_dim3A_18, %reduce_sum3A_29 [0] : vector<2048x1xf32> to vector<1xf32>
    %broadcast_in_dim3A_31 = vector.shape_cast %reduce_sum3A_30 : vector<1xf32> to vector<1x1xf32>
    %add3A_32 = arith.addf %get3A_28, %broadcast_in_dim3A_31 : vector<1x1xf32>
    %swap3A_33 = arith.constant 0 : index
    %swap3A_34 = arith.constant 0 : index
    %swap3A_35 = vector.load %arg9[%swap3A_33, %swap3A_34] : memref<1x1xf32, #tpu.memory_space<vmem>>, vector<1x1xf32>
    tpu.vector_store %arg9[%swap3A_33, %swap3A_34], %add3A_32 {strides = array<i32>} : memref<1x1xf32, #tpu.memory_space<vmem>>, vector<1x1xf32>,
    %eq3A_36 = arith.constant 1 : i32
    %eq3A_37 = arith.cmpi eq, %arg0, %eq3A_36 : i32
    %convert_element_type3A_38 = arith.extui %eq3A_37 : i1 to i32
    %cond3A_39 = arith.constant 0 : i32
    %cond3A_40 = arith.cmpi ne, %convert_element_type3A_38, %cond3A_39 : i32
    scf.if %cond3A_40 {
      %get3A_41 = arith.constant 0 : index
      %get3A_42 = arith.constant 0 : index
      %get3A_43 = vector.load %arg9[%get3A_41, %get3A_42] : memref<1x1xf32, #tpu.memory_space<vmem>>, vector<1x1xf32>
      %mul3A_44 = arith.constant 9.53674316E-7 : f32
      %mul3A_45 = vector.broadcast %mul3A_44 : f32 to vector<1x1xf32>
      %mul3A_46 = arith.mulf %get3A_43, %mul3A_45 : vector<1x1xf32>
      %swap3A_47 = arith.constant 0 : index
      %swap3A_48 = arith.constant 0 : index
      %swap3A_49 = vector.load %arg6[%swap3A_47, %swap3A_48] : memref<1x1xf32, #tpu.memory_space<vmem>>, vector<1x1xf32>
      tpu.vector_store %arg6[%swap3A_47, %swap3A_48], %mul3A_46 {strides = array<i32>} : memref<1x1xf32, #tpu.memory_space<vmem>>, vector<1x1xf32>,
    } else {
    }
    return
  }
  func.func @transform_0(%arg0: i32) -> (i32, i32) {
    %c0_i32 = arith.constant 0 : i32
    %c0_i32_0 = arith.constant 0 : i32
    return %arg0, %c0_i32 : i32, i32
  }
  func.func @transform_1(%arg0: i32) -> (i32, i32) {
    %c0_i32 = arith.constant 0 : i32
    %c0_i32_0 = arith.constant 0 : i32
    %c0_i32_1 = arith.constant 0 : i32
    return %c0_i32, %c0_i32_0 : i32, i32
  }
  func.func @transform_2(%arg0: i32) -> (i32, i32) {
    %c0_i32 = arith.constant 0 : i32
    %c0_i32_0 = arith.constant 0 : i32
    %c0_i32_1 = arith.constant 0 : i32
    return %c0_i32, %c0_i32_0 : i32, i32
  }
  func.func @transform_3(%arg0: i32) -> (i32, i32) {
    %c0_i32 = arith.constant 0 : i32
    %c0_i32_0 = arith.constant 0 : i32
    %c0_i32_1 = arith.constant 0 : i32
    return %c0_i32, %c0_i32_0 : i32, i32
  }
  func.func @transform_4(%arg0: i32) -> (i32, i32) {
    %c0_i32 = arith.constant 0 : i32
    %c0_i32_0 = arith.constant 0 : i32
    return %arg0, %c0_i32 : i32, i32
  }
  func.func @transform_5(%arg0: i32) -> (i32, i32) {
    %c0_i32 = arith.constant 0 : i32
    %c0_i32_0 = arith.constant 0 : i32
    %c0_i32_1 = arith.constant 0 : i32
    return %c0_i32, %c0_i32_0 : i32, i32
  }
  func.func @transform_6(%arg0: i32) -> (i32, i32) {
    %c0_i32 = arith.constant 0 : i32
    %c0_i32_0 = arith.constant 0 : i32
    %c0_i32_1 = arith.constant 0 : i32
    return %c0_i32, %c0_i32_0 : i32, i32
  }
}

</mosaic_0001>

<sc_bundles>
// kernel: kernel.5.cloned.1.call-start
scs
__scs_entry_jumppad:
0x0: {  	(pc) =	sbr.rel $0x88, $3  }
0x1: {  	(tag) =	ssettag $0x0;
	lr =	simm.s32 $0x1  }
0x2: {  	[smem:$0x3F99] =	sst lr;
	_ =	strace $0xD0000000  }
0x3: {  	_ = 	snop  }
0x4: {  	_ = 	snop  }
0x5: {  	_ = 	snop  }
0x6: {  	_ = 	snop  }
0x7: {  	_ = 	snop  }
__scs_overlays_trampoline_lowered:
0x8: {  	[smem:$0x3FA8] =	sst s0  }
0x9: {  	[smem:$0x3FA9] =	sst s1  }
0xa: {  	[smem:$0x3FAA] =	sst s2  }
0xb: {  	[smem:$0x3FAB] =	sst s3  }
0xc: {  	[smem:$0x3FAC] =	sst s4  }
0xd: {  	[smem:$0x3FAD] =	sst s5  }
0xe: {  	[smem:$0x3FAE] =	sst s6  }
0xf: {  	[smem:$0x3FAF] =	sst s7  }
0x10: {  	[smem:$0x3FB0] =	sst s8  }
0x11: {  	[smem:$0x3FB1] =	sst s9;
	s0 =	simm.s32 @!p0 $0x0  }
0x12: {  	s1 =	sld [smem:$0x3F97];
	s0 =	simm.s32 @p0 $0x1  }
0x13: {  	[smem:$0x3FB2] =	sst s0;
	s0 =	simm.s32 @!p1 $0x0  }
0x14: {  	s2 =	sld [smem:$0x3F96];
	s0 =	simm.s32 @p1 $0x1  }
0x15: {  	[smem:$0x3FB3] =	sst s0;
	s0 =	simm.s32 @!p2 $0x0  }
0x16: {  	s3 =	sld [smem:$0x3FDB];
	s0 =	simm.s32 @p2 $0x1  }
0x17: {  	s4 =	simm.s32 $0x1BF5;
	[smem:$0x3FB5] =	sst s0  }
0x18: {  	s0 =	sld [smem:$0x3F98];
	_ =	swait.ge [sflag:s4], $0x0  }
0x19: {  	s7 =	sld [smem:$0x3F99]  }
0x1a: {  	s8 =	sadd.s32 $0xFFFFE003, lr  }
0x1b: {  	s9 =	sadd.s32 $0xFFFFFEF7, lr;
	s5 =	simm.s32 $0xFFFFFFFF;
	p2 =	slt.u32 s8, $0xFFFFF086  }
0x1c: {  	p1 =	slt.u32 s9, $0xF7A;
	s5 =	simm.s32 @!p2 $0x0  }
0x1d: {  	s5 =	simm.s32 @p1 $0x1;
	p0 =	seq.s32 s7, s2  }
0x1e: {  	s7 =	smul.u32 @!p0 $0xF7A, s2;
	p2 =	seq.s32 @!p0 s5, $0x0  }
0x1f: {  	s9 =	smul.u32 $0xF7A, s1;
	s8 =	simm.s32 @!p0 $0x1BF5;
	p2 =	por !p2, p0  }
0x20: {  	[sflag:s8] =	ssyncset.s32 @!p0 $0xFFFFF086;
	s6 =	sadd.s32 @!p0 s3, s7;
	s7 =	simm.s32 @!p0 $0x108  }
0x21: {  	s3 =	sadd.s32 s3, s9;
	s6 =	sadd.s32 @!p0 $0x88, s6;
	s7 =	simm.s32 @p2 $0x1082  }
0x22: {  	[simem:s7], [sflag:s8] =	dma.local @!p0 [hbm:s6], $0xF7A  }
0x23: {  	s9 =	sor.u32 $0xD0000000, s2;
	s6 =	simm.s32 $0x108;
	_ =	swait.ge @!p0 [sflag:s8], $0x0  }
0x24: {  	s3 =	sadd.s32 $0x88, s3;
	s6 =	simm.s32 @!p1 $0x1082;
	[sflag:s4] =	ssyncset.s32 $0xFFFFF086  }
0x25: {  	[simem:s6], [sflag:s4] =	dma.local [hbm:s3], $0xF7A  }
0x26: {  	[smem:$0x3F99] =	sst s1;
	(tag) =	ssettag s2;
	_ =	strace s9  }
0x27: {  	s1 =	sld [smem:$0x3FA9]  }
0x28: {  	s2 =	sld [smem:$0x3FAA]  }
0x29: {  	s4 =	sld [smem:$0x3FAC]  }
0x2a: {  	p0 =	seq.s32 s5, $0x0;
	s5 =	sld [smem:$0x3FAD]  }
0x2b: {  	s6 =	sld [smem:$0x3FAE]  }
0x2c: {  	s7 =	sld [smem:$0x3FAF]  }
0x2d: {  	s3 =	simm.s32 $0x108;
	s8 =	sld [smem:$0x3FB0]  }
0x2e: {  	s3 =	simm.s32 @!p0 $0x1082;
	s9 =	sld [smem:$0x3FB1]  }
0x2f: {  	lr =	sadd.s32 s0, s3;
	s0 =	sld [smem:$0x3FA8]  }
0x30: {  	s3 =	sld [smem:$0x3FAB]  }
0x31: {  	[smem:$0x3FB4] =	sst s10  }
0x32: {  	s10 =	sld [smem:$0x3FB2];
	_ =	sdelay $0x3  }
0x33: {  	p0 =	seq.s32 s10, $0x1;
	s10 =	sld [smem:$0x3FB4];
	_ =	sdelay $0x3  }
0x34: {  	[smem:$0x3FB4] =	sst s10  }
0x35: {  	s10 =	sld [smem:$0x3FB3];
	_ =	sdelay $0x3  }
0x36: {  	p1 =	seq.s32 s10, $0x1;
	s10 =	sld [smem:$0x3FB4];
	_ =	sdelay $0x3  }
0x37: {  	[smem:$0x3FB4] =	sst s10  }
0x38: {  	s10 =	sld [smem:$0x3FB5]  }
0x39: {  	_ = 	snop;
	(pc) =	sbr.ind lr, $3  }
0x3a: {  	_ = 	snop  }
0x3b: {  	_ = 	snop  }
0x3c: {  	p2 =	seq.s32 s10, $0x1;
	s10 =	sld [smem:$0x3FB4]  }
0x3d: {  	_ =	shalt  }
0x3e: {  	_ =	shalt  }
0x3f: {  	_ =	shalt  }
0x40: {  	_ =	shalt  }
0x41: {  	_ =	shalt  }
0x42: {  	_ =	shalt  }
0x43: {  	_ =	shalt  }
0x44: {  	_ =	shalt  }
0x45: {  	_ =	shalt  }
0x46: {  	_ =	shalt  }
0x47: {  	_ =	shalt  }
0x48: {  	_ =	shalt  }
0x49: {  	_ =	shalt  }
0x4a: {  	_ =	shalt  }
0x4b: {  	_ =	shalt  }
0x4c: {  	_ =	shalt  }
0x4d: {  	_ =	shalt  }
0x4e: {  	_ =	shalt  }
0x4f: {  	_ =	shalt  }
0x50: {  	_ =	shalt  }
0x51: {  	_ =	shalt  }
0x52: {  	_ =	shalt  }
0x53: {  	_ =	shalt  }
0x54: {  	_ =	shalt  }
0x55: {  	_ =	shalt  }
0x56: {  	_ =	shalt  }
0x57: {  	_ =	shalt  }
0x58: {  	_ =	shalt  }
0x59: {  	_ =	shalt  }
0x5a: {  	_ =	shalt  }
0x5b: {  	_ =	shalt  }
0x5c: {  	_ =	shalt  }
0x5d: {  	_ =	shalt  }
0x5e: {  	_ =	shalt  }
0x5f: {  	_ =	shalt  }
0x60: {  	_ =	shalt  }
0x61: {  	_ =	shalt  }
0x62: {  	_ =	shalt  }
0x63: {  	_ =	shalt  }
0x64: {  	_ =	shalt  }
0x65: {  	_ =	shalt  }
0x66: {  	_ =	shalt  }
0x67: {  	_ =	shalt  }
0x68: {  	_ =	shalt  }
0x69: {  	_ =	shalt  }
0x6a: {  	_ =	shalt  }
0x6b: {  	_ =	shalt  }
0x6c: {  	_ =	shalt  }
0x6d: {  	_ =	shalt  }
0x6e: {  	_ =	shalt  }
0x6f: {  	_ =	shalt  }
0x70: {  	_ =	shalt  }
0x71: {  	_ =	shalt  }
0x72: {  	_ =	shalt  }
0x73: {  	_ =	shalt  }
0x74: {  	_ =	shalt  }
0x75: {  	_ =	shalt  }
0x76: {  	_ =	shalt  }
0x77: {  	_ =	shalt  }
0x78: {  	_ =	shalt  }
0x79: {  	_ =	shalt  }
0x7a: {  	_ =	shalt  }
0x7b: {  	_ =	shalt  }
0x7c: {  	_ =	shalt  }
0x7d: {  	_ =	shalt  }
0x7e: {  	_ =	shalt  }
0x7f: {  	_ =	shalt  }
0x80: {  	_ =	shalt  }
0x81: {  	_ =	shalt  }
0x82: {  	_ =	shalt  }
0x83: {  	_ =	shalt  }
0x84: {  	_ =	shalt  }
0x85: {  	_ =	shalt  }
0x86: {  	_ =	shalt  }
0x87: {  	_ =	shalt  }
.Lfunc_end0:
.L_simem_size_0:
called_computation_lowered:
.L_overlay_start_0:
0x88: {  	s2 =	sld [smem:$0x3FD9]  }
0x89: {  	s3 =	sld [smem:$0x3FFE];
	_ =	sdelay $0x1  }
0x8a: {  	s1 =	srdreg.scid  }
0x8b: {  	s0 =	sand.u32 $0x1, s1  }
0x8c: {  	s14 =	sshll.u32 s0, $0xA;
	s2 =	sadd.s32 s3, s2  }
0x8d: {  	s2 =	sadd.s32 s2, s14  }
0x8e: {  	[smem:$0x3FC0] =	sst s2  }
0x8f: {  	_ = 	snop  }
0x90: {  	s2 =	sld [smem:$0x3FD0];
	_ =	sdelay $0x2  }
0x91: {  	s15 =	simm.s32 $0xA;
	s4 =	simm.s32 $0x10  }
0x92: {  	[smem:s4], [sflag:s15] =	dma.local [hbm:s2], $0x1  }
0x93: {  	_ =	swait.eq [sflag:s15], $0x1  }
0x94: {  	[sflag:s15] =	ssyncset.done $0x0  }
0x95: {  	[sflag:s15] =	ssyncadd.s32 $0xFFFFFFFF  }
0x96: {  	s16 =	sld [smem:$0x10];
	(tm) =	ssettm $0x1  }
0x97: {  	s17 =	sld [smem:$0x3FFB];
	_ =	sdelay $0x3  }
0x98: {  	_ =	strace s17  }
0x99: {  	s3 =	sld [smem:$0x3FFC];
	_ =	sdelay $0x3  }
0x9a: {  	_ =	strace s3  }
0x9b: {  	s3 =	sld [smem:$0x3FFD];
	_ =	sdelay $0x3  }
0x9c: {  	_ =	strace s3  }
0x9d: {  	_ =	strace $0x8FFFFFFF  }
0x9e: {  	s18 =	sld [smem:$0x3FDB];
	_ =	sdelay $0x1  }
0x9f: {  	s19 =	simm.s32 $_scs_section_size  }
0xa0: {  	s5 =	simm.s32 $_size__tile_overlayer_lowered;
	s6 =	simm.s32 $_tile_overlayer_lowered  }
0xa1: {  	s22 =	simm.s32 $0x1BFF;
	s21 =	sshll.u32 s6, $0x1;
	s3 =	sadd.s32 s19, s18  }
0xa2: {  	s7 =	simm.s32 $0x0;
	s20 =	sshll.u32 s5, $0x1;
	s5 =	sadd.s32 s21, s3  }
0xa3: {  	[timem:s7], [sflag:s22] =	dma.local [hbm:s5], s20  }
0xa4: {  	_ =	swait.ge [sflag:s22], s20  }
0xa5: {  	s4 =	ssub.s32 $0x0, s20;
	[sflag:s22] =	ssyncset.done $0x0  }
0xa6: {  	[sflag:s22] =	ssyncadd.s32 s4;
	_ =	sdelay $0x1  }
0xa7: {  	s23 =	simm.s32 $0x1B8B  }
0xa8: {  	_ =	swait.ge [sflag:s23], $0x1  }
0xa9: {  	[sflag:s23] =	ssyncset.done $0x0  }
0xaa: {  	s25 =	simm.s32 $0x1B8E;
	s24 =	sld [smem:$0x3FFE];
	[sflag:s23] =	ssyncadd.s32 $0xFFFFFFFF  }
0xab: {  	s26 =	simm.s32 $execute0_lowered;
	[smem:$0x3FD2] =	sst s25  }
0xac: {  	s5 =	sshll.u32 s26, $0x1;
	_ =	strace $0x80000046;
	[dreg:$0x1] =	wrdreg $0xFFFFFFFF  }
0xad: {  	s28 =	simm.s32 $_size_execute0_lowered;
	s3 =	sadd.s32 s3, s5;
	[dreg:$0x0] =	wrdreg $0x0  }
0xae: {  	s5 =	sshll.u32 s28, $0x1;
	[dreg:$0x2] =	wrdreg s3  }
0xaf: {  	[dreg:$0x3] =	wrdreg s5  }
0xb0: {  	[dreg:$0x4] =	wrdreg $0xC0  }
0xb1: {  	_ =	task [dreg:s7], $0x5FFFF  }
0xb2: {  	[dreg:$0x1] =	wrdreg $0xFFFFFFFF  }
0xb3: {  	[dreg:$0x0] =	wrdreg $0x60  }
0xb4: {  	[dreg:$0x2] =	wrdreg s16  }
0xb5: {  	[dreg:$0x3] =	wrdreg s24  }
0xb6: {  	[dreg:$0x4] =	wrdreg $0x9  }
0xb7: {  	_ =	task.clear_ibuf [dreg:s7], $0x5FFFF;
	_ =	strace $0x90000046  }
0xb8: {  	s29 =	simm.s32 $0x9;
	_ =	strace $0x80000048  }
0xb9: {  	_ =	swait.ge [sflag:s29], $0x1  }
0xba: {  	[sflag:s29] =	ssyncadd.s32 $0xFFFFFFFF  }
0xbb: {  	_ =	strace $0x90000048  }
0xbc: {  	_ =	sfence  }
0xbd: {  	s30 =	sld [smem:$0x0];
	_ =	sdelay $0x2  }
0xbe: {  	s31 =	sshll.u32 s1, $0xD;
	s1 =	sshrl.u32 s1, $0x2  }
0xbf: {  	s3 =	sand.u32 $0x4000, s31;
	s1 =	sadd.s32 s1, s30  }
0xc0: {  	s0 =	sor.u32 s3, s0;
	s1 =	sshll.u32 s1, $0x11  }
0xc1: {  	s0 =	sor.u32 s1, s0  }
0xc2: {  	s0 =	sadd.s32 $0x8F2B, s0  }
0xc3: {  	[sflag:s0] =	ssyncadd.remote.s32 $0x1  }
0xc4: {  	_ =	sfence.sel $0xFFFF  }
0xc5: {  	[dreg:$0x0] =	wrdreg $0xFFFFFFFF;
	(pc) =	sbr.abs _section_cstart, $3  }
0xc6: {  	[dreg:$0x1] =	wrdreg $0xFFFFFFFF  }
0xc7: {  	_ =	task.clear_ibuf [dreg:s7], $0x2FFFF;
	_ =	strace $0x9FFFFFFF  }
0xc8: {  	(tm) =	ssettm $0x7FFFFFFF  }
0xc9: {  	_ =	shalt  }
tec
execute0_lowered:
.L_overlay_start_1:
0x0: {  	(tag) =	ssettag $0x1  }
0x1: {  	s2 =	rddreg [dreg:$0x0];
	s3 =	srdreg.scid  }
0x2: {  	s13 =	rddreg [dreg:$0x1];
	s1 =	stileid.u32;
	s15 =	sand.u32 $0x1, s3  }
0x3: {  	s0 =	rddreg [dreg:$0x2];
	s4 =	sshll.u32 s1, $0x8;
	s5 =	sshll.u32 s15, $0x7  }
0x4: {  	s3 =	simm.s32 $0x0;
	s28 =	sadd.s32 $0x1A00, s13;
	s14 =	sor.u32 s5, s4  }
0x5: {  	[smem:$0x7FF] =	sst s3;
	s4 =	sshrl.u32 s14, $0x3;
	s16 =	sor.u32 $0x40, s14  }
0x6: {  	_ =	strace $0x80000047;
	s4 =	sadd.s32 s28, s4;
	s6 =	sshrl.u32 s16, $0x3  }
0x7: {  	[tilespmem:s3], [sflag:$0x1] =	stream.linear.gather [hbm4b:s4+s3], $0x40, $0x38;
	[tilespmem:$0x4100] =	vst v63  }
0x8: {  	s7 =	simm.s32 $0x1;
	s5 =	sadd.s32 s28, s6;
	s6 =	simm.s32 $0x80  }
0x9: {  	[tilespmem:s6], [sflag:$0x2] =	stream.linear.gather [hbm4b:s5+s3], $0x40, $0x38;
	[tilespmem:$0x4100] =	vst v63  }
0xa: {  	_ =	swait.ge [sflag:s7], $0x40  }
0xb: {  	s8 =	simm.s32 $0x40;
	[sflag:s7] =	ssyncset.done $0x0  }
0xc: {  	s9 =	simm.s32 $0x100;
	s10 =	simm.s32 $0x2;
	[sflag:s7] =	ssyncadd.s32 $0xFFFFFFC0  }
0xd: {  	[tilespmem:s9], [sflag:$0x3] =	stream.indirect.gather [hbm4b:s2+s8], $0x80, s3, s8, $0xb8;
	[tilespmem:$0x4100] =	vst v63  }
0xe: {  	_ =	swait.ge [sflag:s10], $0x40  }
0xf: {  	s11 =	simm.s32 $0x2100;
	[sflag:s10] =	ssyncset.done $0x0  }
0x10: {  	s12 =	simm.s32 $0x3;
	s18 =	ssub.s32 $0x2, s15;
	[sflag:s10] =	ssyncadd.s32 $0xFFFFFFC0  }
0x11: {  	[tilespmem:s11], [sflag:$0x4] =	stream.indirect.gather [hbm4b:s2+s8], $0x80, s6, s8, $0xb8;
	[tilespmem:$0x4100] =	vst v63  }
0x12: {  	s17 =	sadd.s32 $0x1C00, s13;
	s31 =	sshrl.u32 s18, $0x1;
	_ =	swait.ge [sflag:s12], $0x2000  }
0x13: {  	s29 =	sshll.u32 s14, $0x4;
	s14 =	simm.s32 $0x4;
	[sflag:s12] =	ssyncset.done $0x0  }
0x14: {  	s13 =	sadd.s32 s17, s29;
	s30 =	sshll.u32 s16, $0x4;
	[sflag:s12] =	ssyncadd.s32 $0xFFFFE000  }
0x15: {  	[hbm4b:s13+s3] =	stream.linear.scatter [tilespmem:s9], [sflag:$0x5], $0x2000, $0x38;
	[tilespmem:$0x4100] =	vst v63  }
0x16: {  	s15 =	sadd.s32 s17, s30;
	s17 =	ssub.s32 s18, s31;
	_ =	swait.ge [sflag:s14], $0x2000  }
0x17: {  	s18 =	smax.u32 s17, $0x1;
	[sflag:s14] =	ssyncset.done $0x0  }
0x18: {  	s16 =	simm.s32 $0x5;
	p0 =	sne.s32 s18, $0x1;
	[sflag:s14] =	ssyncadd.s32 $0xFFFFE000  }
0x19: {  	[hbm4b:s15+s3] =	stream.linear.scatter [tilespmem:s11], [sflag:$0x6], $0x2000, $0x38;
	[tilespmem:$0x4100] =	vst v63  }
.Ltmp0:
0x1a: {  	_ =	swait.ge [sflag:s16], $0x2000;
	(pc) =	sbr.rel @!p0 .LBB2_2-.Ltmp0, $4  }
0x1b: {  	[sflag:s16] =	ssyncset.done $0x0  }
0x1c: {  	s17 =	simm.s32 $0x6;
	[sflag:s16] =	ssyncadd.s32 $0xFFFFE000  }
0x1d: {  	_ =	swait.ge [sflag:s17], $0x2000  }
0x1e: {  	s18 =	sadd.s32 $0xFFFFFFFF, s18;
	[sflag:s17] =	ssyncset.done $0x0  }
.LBB2_1:
0x1f: {  	p0 =	sne.s32 s18, $0x1;
	s18 =	sadd.s32 $0xFFFFFFFF, s18;
	[sflag:s17] =	ssyncadd.s32 $0xFFFFE000  }
0x20: {  	[tilespmem:s3], [sflag:$0x1] =	stream.linear.gather [hbm4b:s4+s3], $0x40, $0x38;
	[tilespmem:$0x4100] =	vst v63  }
0x21: {  	_ = 	snop  }
0x22: {  	[tilespmem:s6], [sflag:$0x2] =	stream.linear.gather [hbm4b:s5+s3], $0x40, $0x38;
	[tilespmem:$0x4100] =	vst v63  }
0x23: {  	_ =	swait.ge [sflag:s7], $0x40  }
0x24: {  	[sflag:s7] =	ssyncset.done $0x0  }
0x25: {  	[sflag:s7] =	ssyncadd.s32 $0xFFFFFFC0  }
0x26: {  	[tilespmem:s9], [sflag:$0x3] =	stream.indirect.gather [hbm4b:s2+s8], $0x80, s3, s8, $0xb8;
	[tilespmem:$0x4100] =	vst v63  }
0x27: {  	_ =	swait.ge [sflag:s10], $0x40  }
0x28: {  	[sflag:s10] =	ssyncset.done $0x0  }
0x29: {  	[sflag:s10] =	ssyncadd.s32 $0xFFFFFFC0  }
0x2a: {  	[tilespmem:s11], [sflag:$0x4] =	stream.indirect.gather [hbm4b:s2+s8], $0x80, s6, s8, $0xb8;
	[tilespmem:$0x4100] =	vst v63  }
0x2b: {  	_ =	swait.ge [sflag:s12], $0x2000  }
0x2c: {  	[sflag:s12] =	ssyncset.done $0x0  }
0x2d: {  	[sflag:s12] =	ssyncadd.s32 $0xFFFFE000  }
0x2e: {  	[hbm4b:s13+s3] =	stream.linear.scatter [tilespmem:s9], [sflag:$0x5], $0x2000, $0x38;
	[tilespmem:$0x4100] =	vst v63  }
0x2f: {  	_ =	swait.ge [sflag:s14], $0x2000  }
0x30: {  	[sflag:s14] =	ssyncset.done $0x0  }
0x31: {  	[sflag:s14] =	ssyncadd.s32 $0xFFFFE000  }
0x32: {  	[hbm4b:s15+s3] =	stream.linear.scatter [tilespmem:s11], [sflag:$0x6], $0x2000, $0x38;
	[tilespmem:$0x4100] =	vst v63  }
.Ltmp1:
0x33: {  	_ =	swait.ge [sflag:s16], $0x2000;
	(pc) =	sbr.rel @p0 .LBB2_1-.Ltmp1, $4  }
0x34: {  	[sflag:s16] =	ssyncset.done $0x0  }
0x35: {  	[sflag:s16] =	ssyncadd.s32 $0xFFFFE000  }
0x36: {  	_ =	swait.ge [sflag:s17], $0x2000  }
0x37: {  	[sflag:s17] =	ssyncset.done $0x0  }
.LBB2_2:
0x38: {  	[sflag:s17] =	ssyncadd.s32 $0xFFFFE000  }
0x39: {  	_ =	sfence.sel $0x180000  }
0x3a: {  	[bflag:$0x0] =	sbarrier.arrive $0xFFFF  }
0x3b: {  	p0 =	sne.s32 s1, $0x0;
	_ =	strace $0x90000047  }
0x3c: {  	s0 =	sadd.s32 @!p0 $0x100000, s0;
	[bflag:$0x2] =	sbarrier.arrive $0xFFFF  }
0x3d: {  	[sflag:s0] =	ssyncadd.tile.s32 @!p0 $0x1;
	_ =	shalt  }
.Lfunc_end2:
_tile_overlayer_lowered:
.L_overlay_start_2:
0x3e: {  	(tag) =	ssettag $0x2  }
0x3f: {  	s0 =	rddreg [dreg:$0x0];
	s2 =	stileid.u32  }
0x40: {  	s1 =	rddreg [dreg:$0x1];
	p0 =	sne.s32 s2, $0x0  }
0x41: {  	s3 =	rddreg [dreg:$0x2];
	[bflag:$0x3] =	sbarrier.arrive $0xFFFF;
	s2 =	simm.s32 @!p0 $0x1C07  }
0x42: {  	[timem:s3], [sflag:s2] =	dma.local @!p0 [hbm:s0], s1  }
0x43: {  	s0 =	simm.s32 @!p0 $0x7  }
0x44: {  	_ =	swait.ge @!p0 [sflag:s0], s1  }
0x45: {  	s1 =	ssub.s32 @!p0 $0x0, s1;
	[sflag:s0] =	ssyncset.done @!p0 $0x0  }
0x46: {  	[sflag:s0] =	ssyncadd.s32 @!p0 s1  }
0x47: {  	[bflag:$0x3] =	sbarrier.arrive $0xFFFF  }
0x48: {  	_ =	shalt  }

</sc_bundles>
